<compile_context>
chip_gen: v7x
topology: tpu7x:2x2x1
jax: 0.10.2.dev20260603
libtpu: 0.0.44.dev20260713+nightly
codegen_flags: <defaults>
</compile_context>

<pallas_src>
import functools

import jax
import jax.numpy as jnp
from jax import lax
from jax.experimental import pallas as pl
from jax.experimental.pallas import tpu as pltpu
from jax.experimental.pallas import tpu_sc as plsc

_VECTOR_DIM = 32
_ROWS_PER_BLOCK = 1024


def _argmin_body(x_ref, c_ref, idx_ref):
    x = x_ref[...]
    c = c_ref[...]
    sim2 = jnp.dot(x * -2.0, c, preferred_element_type=jnp.float32)
    rown = jnp.sum(x * x, axis=1, keepdims=True)
    coln = jnp.sum(c * c, axis=0, keepdims=True)
    dist = (rown + coln) + sim2
    idx_ref[0, 0, :] = jnp.argmin(dist, axis=1).astype(jnp.int32)


def _compute_indices(x, codebook):
    n, _ = x.shape
    v = codebook.shape[1]
    r = _ROWS_PER_BLOCK
    g = n // r
    idx3 = pl.pallas_call(
        _argmin_body,
        grid=(g,),
        in_specs=[
            pl.BlockSpec((r, _VECTOR_DIM), lambda i: (i, 0)),
            pl.BlockSpec((_VECTOR_DIM, v), lambda i: (0, 0)),
        ],
        out_specs=pl.BlockSpec((1, 1, r), lambda i: (i, 0, 0)),
        out_shape=jax.ShapeDtypeStruct((g, 1, r), jnp.int32),
    )(x, codebook)
    return idx3.reshape(n)


def _sc_gather_and_loss(table, idx, x):
    n = idx.shape[0]
    d = table.shape[1]
    num_cores, num_subcores = 2, 16
    lanes = 16
    nw = num_cores * num_subcores
    b_per_w = n // nw

    mesh = plsc.VectorSubcoreMesh(core_axis_name="c", subcore_axis_name="s")

    @functools.partial(
        pl.kernel,
        mesh=mesh,
        compiler_params=pltpu.CompilerParams(use_tc_tiling_on_sc=False),
        out_type=[
            jax.ShapeDtypeStruct((n, d), jnp.float32),
            jax.ShapeDtypeStruct((nw, lanes), jnp.float32),
        ],
        scratch_types=[
            pltpu.VMEM((b_per_w,), jnp.int32),
            pltpu.VMEM((b_per_w, d), jnp.float32),
            pltpu.VMEM((b_per_w, d), jnp.float32),
            pltpu.VMEM((lanes,), jnp.float32),
            pltpu.SemaphoreType.DMA,
        ],
    )
    def gather_kernel(table_hbm, idx_hbm, x_hbm, out_hbm, part_hbm,
                      idx_v, rows_v, x_v, acc_v, sem):
        wid = lax.axis_index("s") * num_cores + lax.axis_index("c")
        base = wid * b_per_w
        pltpu.sync_copy(idx_hbm.at[pl.ds(base, b_per_w)], idx_v)
        cp_x = pltpu.async_copy(x_hbm.at[pl.ds(base, b_per_w)], x_v, sem)
        pltpu.async_copy(table_hbm.at[idx_v], rows_v, sem).wait()
        cp_x.wait()
        out_cp = pltpu.async_copy(rows_v, out_hbm.at[pl.ds(base, b_per_w)], sem)

        acc_v[...] = jnp.zeros((lanes,), jnp.float32)

        def body(r, _):
            a = acc_v[...]
            for h in range(d // lanes):
                dq = rows_v[r, pl.ds(h * lanes, lanes)] - x_v[r, pl.ds(h * lanes, lanes)]
                a = a + dq * dq
            acc_v[...] = a
            return _

        lax.fori_loop(0, b_per_w, body, 0, unroll=4)
        pltpu.sync_copy(acc_v, part_hbm.at[wid])
        out_cp.wait()

    return gather_kernel(table, idx, x)


def kernel(inputs, quantized_vectors):
    input_shape = inputs.shape
    x = inputs.reshape(-1, _VECTOR_DIM)
    n = x.shape[0]
    idx = _compute_indices(x, quantized_vectors)
    quantized, partials = _sc_gather_and_loss(quantized_vectors.T, idx, x)
    vq_loss = jnp.sum(partials) * (1.25 / (n * _VECTOR_DIM))
    return quantized.reshape(input_shape), vq_loss

# --- scband reference (transcript-rebuilt; emitter-appended) ---
"""Pipeline reference for scband-vector-quantizer-layer-27204322852880 (READ-ONLY COPY).

The authoritative reference and input builder live on the scoring server;
editing this copy changes nothing except your own understanding.
"""

import jax, jax.numpy as jnp
import numpy as np

N_VECTORS = 8192
VECTOR_DIM = 32
BETA = 0.25


def setup_inputs(seed: int = 0) -> dict:
    key = jax.random.key(seed)
    k1, k2 = jax.random.split(key)
    inputs = jax.random.normal(k1, (16, 1024, VECTOR_DIM), dtype=jnp.float32)
    # Keras weight shape is (vector_dim, n_vectors), random_uniform_initializer default [-0.05, 0.05]
    quantized_vectors = jax.random.uniform(
        k2, (VECTOR_DIM, N_VECTORS), dtype=jnp.float32, minval=-0.05, maxval=0.05
    )
    return {"inputs": inputs, "quantized_vectors": quantized_vectors}


def reference(inputs, quantized_vectors):
    input_shape = inputs.shape
    flattened = inputs.reshape(-1, VECTOR_DIM)
    # get_code_indices
    similarity = flattened @ quantized_vectors
    distances = (
        jnp.sum(flattened ** 2, axis=1, keepdims=True)
        + jnp.sum(quantized_vectors ** 2, axis=0)
        - 2.0 * similarity
    )
    encoding_indices = jnp.argmin(distances, axis=1)
    # one-hot + matmul against codebook (transpose_b=True)
    encodings = jax.nn.one_hot(encoding_indices, N_VECTORS, dtype=jnp.float32)
    quantized = encodings @ quantized_vectors.T
    quantized = quantized.reshape(input_shape)
    # losses (added via add_loss in keras)
    commitment_loss = BETA * jnp.mean((jax.lax.stop_gradient(quantized) - inputs) ** 2)
    codebook_loss = jnp.mean((quantized - jax.lax.stop_gradient(inputs)) ** 2)
    vq_loss = commitment_loss + codebook_loss
    # straight-through estimator
    quantized_st = inputs + jax.lax.stop_gradient(quantized - inputs)
    return quantized_st, vq_loss

if __name__ == "__main__":
    import jax
    _d = setup_inputs()
    print(jax.jit(kernel)(*tuple(_d.values())))

</pallas_src>

<mosaic_0001>
#map = affine_map<(d0, d1) -> (0, 0)>
#map1 = affine_map<(d0, d1) -> (0)>
module attributes {stable_mosaic.version = 14 : i64} {
  func.func @gather_kernel(%arg0: i32, %arg1: i32, %arg2: memref<8192x32xf32, #tpu.memory_space<hbm>>, %arg3: memref<16384xi32, #tpu.memory_space<hbm>>, %arg4: memref<16384x32xf32, #tpu.memory_space<hbm>>, %arg5: memref<16384x32xf32, #tpu.memory_space<hbm>>, %arg6: memref<32x16xf32, #tpu.memory_space<hbm>>, %arg7: memref<512xi32, #tpu.memory_space<vmem>>, %arg8: memref<512x32xf32, #tpu.memory_space<vmem>>, %arg9: memref<512x32xf32, #tpu.memory_space<vmem>>, %arg10: memref<16xf32, #tpu.memory_space<vmem>>, %arg11: memref<!tpu.dma_semaphore, #tpu.memory_space<semaphore_mem>>) attributes {dimension_semantics = [#tpu.dimension_semantics<core_parallel>, #tpu.dimension_semantics<subcore_parallel>], iteration_bounds = array<i64: 2, 16>, scalar_prefetch = 0 : i64, scratch_operands = 5 : i64, tpu.core_type = #tpu.core_type<sc_vector_subcore>, window_params = [{transform_indices = #map}, {transform_indices = #map1}, {transform_indices = #map}, {transform_indices = #map}, {transform_indices = #map}]} {
    %mul3A = arith.constant 2 : i32
    %mul3A_0 = arith.muli %arg1, %mul3A : i32
    %add3A = arith.addi %mul3A_0, %arg0 : i32
    %mul3A_1 = arith.constant 512 : i32
    %mul3A_2 = arith.muli %add3A, %mul3A_1 : i32
    "tpu.region"() ({
      %run_scoped3A = tpu.sem_alloc : memref<!tpu.dma_semaphore, #tpu.memory_space<semaphore_mem>>
      %dma_start3A_32 = tpu.memref_slice %arg3[%mul3A_2] : memref<16384xi32, #tpu.memory_space<hbm>> -> memref<512xi32, #tpu.memory_space<hbm>>
      %dma_start3A_33 = tpu.memref_slice %arg3[%mul3A_2] : memref<16384xi32, #tpu.memory_space<hbm>> -> memref<512xi32, #tpu.memory_space<hbm>>
      tpu.enqueue_dma source(%dma_start3A_33 : memref<512xi32, #tpu.memory_space<hbm>>) target(%arg7 : memref<512xi32, #tpu.memory_space<vmem>>) target_semaphore(%run_scoped3A : memref<!tpu.dma_semaphore, #tpu.memory_space<semaphore_mem>>)
      %dma_wait3A_34 = tpu.memref_slice %arg3[%mul3A_2] : memref<16384xi32, #tpu.memory_space<hbm>> -> memref<512xi32, #tpu.memory_space<hbm>>
      %dma_wait3A_35 = tpu.memref_slice %arg3[%mul3A_2] : memref<16384xi32, #tpu.memory_space<hbm>> -> memref<512xi32, #tpu.memory_space<hbm>>
      tpu.wait_dma2 semaphore(%run_scoped3A : memref<!tpu.dma_semaphore, #tpu.memory_space<semaphore_mem>>) src(%dma_wait3A_35 : memref<512xi32, #tpu.memory_space<hbm>>) dst(%arg7 : memref<512xi32, #tpu.memory_space<vmem>>)
      tpu.yield
    }) : () -> ()
    %dma_start3A = arith.constant 0 : i32
    %dma_start3A_3 = tpu.memref_slice %arg4[%mul3A_2, %dma_start3A] : memref<16384x32xf32, #tpu.memory_space<hbm>> -> memref<512x32xf32, #tpu.memory_space<hbm>>
    %dma_start3A_4 = arith.constant 0 : i32
    %dma_start3A_5 = tpu.memref_slice %arg4[%mul3A_2, %dma_start3A_4] : memref<16384x32xf32, #tpu.memory_space<hbm>> -> memref<512x32xf32, #tpu.memory_space<hbm>>
    tpu.enqueue_dma source(%dma_start3A_5 : memref<512x32xf32, #tpu.memory_space<hbm>>) target(%arg9 : memref<512x32xf32, #tpu.memory_space<vmem>>) target_semaphore(%arg11 : memref<!tpu.dma_semaphore, #tpu.memory_space<semaphore_mem>>)
    %dma_start3A_6 = arith.constant 0 : i32
    %dma_start3A_7 = arith.constant 0 : i32
    %dma_start3A_8 = tpu.memref_slice %arg2[%dma_start3A_6, %dma_start3A_7] : memref<8192x32xf32, #tpu.memory_space<hbm>> -> memref<8192x32xf32, #tpu.memory_space<hbm>>
    tpu.enqueue_indirect_dma source(%dma_start3A_8 : memref<8192x32xf32, #tpu.memory_space<hbm>>) target(%arg8 : memref<512x32xf32, #tpu.memory_space<vmem>>) offsets(%arg7 : memref<512xi32, #tpu.memory_space<vmem>>) semaphore(%arg11 : memref<!tpu.dma_semaphore, #tpu.memory_space<semaphore_mem>>)
    %dma_wait3A = arith.constant 0 : i32
    %dma_wait3A_9 = arith.constant 0 : i32
    %dma_wait3A_10 = tpu.memref_slice %arg2[%dma_wait3A, %dma_wait3A_9] : memref<8192x32xf32, #tpu.memory_space<hbm>> -> memref<8192x32xf32, #tpu.memory_space<hbm>>
    tpu.wait_indirect_dma semaphore(%arg11 : memref<!tpu.dma_semaphore, #tpu.memory_space<semaphore_mem>>) src(%dma_wait3A_10 : memref<8192x32xf32, #tpu.memory_space<hbm>>) dst(%arg8 : memref<512x32xf32, #tpu.memory_space<vmem>>)
    %dma_wait3A_11 = arith.constant 0 : i32
    %dma_wait3A_12 = tpu.memref_slice %arg4[%mul3A_2, %dma_wait3A_11] : memref<16384x32xf32, #tpu.memory_space<hbm>> -> memref<512x32xf32, #tpu.memory_space<hbm>>
    %dma_wait3A_13 = arith.constant 0 : i32
    %dma_wait3A_14 = tpu.memref_slice %arg4[%mul3A_2, %dma_wait3A_13] : memref<16384x32xf32, #tpu.memory_space<hbm>> -> memref<512x32xf32, #tpu.memory_space<hbm>>
    tpu.wait_dma2 semaphore(%arg11 : memref<!tpu.dma_semaphore, #tpu.memory_space<semaphore_mem>>) src(%dma_wait3A_14 : memref<512x32xf32, #tpu.memory_space<hbm>>) dst(%arg9 : memref<512x32xf32, #tpu.memory_space<vmem>>)
    %dma_start3A_15 = arith.constant 0 : i32
    %dma_start3A_16 = tpu.memref_slice %arg5[%mul3A_2, %dma_start3A_15] : memref<16384x32xf32, #tpu.memory_space<hbm>> -> memref<512x32xf32, #tpu.memory_space<hbm>>
    %dma_start3A_17 = arith.constant 0 : i32
    %dma_start3A_18 = tpu.memref_slice %arg5[%mul3A_2, %dma_start3A_17] : memref<16384x32xf32, #tpu.memory_space<hbm>> -> memref<512x32xf32, #tpu.memory_space<hbm>>
    tpu.enqueue_dma source(%arg8 : memref<512x32xf32, #tpu.memory_space<vmem>>) target(%dma_start3A_18 : memref<512x32xf32, #tpu.memory_space<hbm>>) target_semaphore(%arg11 : memref<!tpu.dma_semaphore, #tpu.memory_space<semaphore_mem>>)
    %broadcast_in_dim3A = arith.constant 0.000000e+00 : f32
    %broadcast_in_dim3A_19 = vector.broadcast %broadcast_in_dim3A : f32 to vector<16xf32>
    %swap3A = arith.constant 0 : index
    %swap3A_20 = tpu.vector_load %arg10[%swap3A] {strides = array<i32>} : memref<16xf32, #tpu.memory_space<vmem>>, vector<16xf32>,
    %swap3A_21 = vector.shape_cast %swap3A_20 : vector<16xf32> to vector<16xf32>
    %swap3A_22 = vector.shape_cast %broadcast_in_dim3A_19 : vector<16xf32> to vector<16xf32>
    tpu.vector_store %arg10[%swap3A], %swap3A_22 {strides = array<i32>} : memref<16xf32, #tpu.memory_space<vmem>>, vector<16xf32>,
    %scan3A = arith.constant 0 : i32
    %scan3A_23 = arith.constant 0 : i32
    %scan3A_24 = arith.constant 512 : i32
    %scan3A_25 = arith.addi %scan3A_23, %scan3A_24 : i32
    %scan3A_26 = arith.constant 4 : i32
    scf.for %scan3A_32 = %scan3A_23 to %scan3A_25 step %scan3A_26  : i32 {
      %get3A = arith.constant 0 : index
      %get3A_33 = tpu.vector_load %arg10[%get3A] {strides = array<i32>} : memref<16xf32, #tpu.memory_space<vmem>>, vector<16xf32>,
      %get3A_34 = vector.shape_cast %get3A_33 : vector<16xf32> to vector<16xf32>
      %get3A_35 = arith.index_cast %scan3A_32 : i32 to index
      %get3A_36 = arith.constant 0 : index
      %get3A_37 = tpu.vector_load %arg8[%get3A_35, %get3A_36] {strides = array<i32>} : memref<512x32xf32, #tpu.memory_space<vmem>>, vector<1x16xf32>,
      %get3A_38 = vector.shape_cast %get3A_37 : vector<1x16xf32> to vector<16xf32>
      %get3A_39 = arith.index_cast %scan3A_32 : i32 to index
      %get3A_40 = arith.constant 0 : index
      %get3A_41 = tpu.vector_load %arg9[%get3A_39, %get3A_40] {strides = array<i32>} : memref<512x32xf32, #tpu.memory_space<vmem>>, vector<1x16xf32>,
      %get3A_42 = vector.shape_cast %get3A_41 : vector<1x16xf32> to vector<16xf32>
      %sub3A = arith.subf %get3A_38, %get3A_42 : vector<16xf32>
      %mul3A_43 = arith.mulf %sub3A, %sub3A : vector<16xf32>
      %add3A_44 = arith.addf %get3A_34, %mul3A_43 : vector<16xf32>
      %get3A_45 = arith.index_cast %scan3A_32 : i32 to index
      %get3A_46 = arith.constant 16 : index
      %get3A_47 = tpu.vector_load %arg8[%get3A_45, %get3A_46] {strides = array<i32>} : memref<512x32xf32, #tpu.memory_space<vmem>>, vector<1x16xf32>,
      %get3A_48 = vector.shape_cast %get3A_47 : vector<1x16xf32> to vector<16xf32>
      %get3A_49 = arith.index_cast %scan3A_32 : i32 to index
      %get3A_50 = arith.constant 16 : index
      %get3A_51 = tpu.vector_load %arg9[%get3A_49, %get3A_50] {strides = array<i32>} : memref<512x32xf32, #tpu.memory_space<vmem>>, vector<1x16xf32>,
      %get3A_52 = vector.shape_cast %get3A_51 : vector<1x16xf32> to vector<16xf32>
      %sub3A_53 = arith.subf %get3A_48, %get3A_52 : vector<16xf32>
      %mul3A_54 = arith.mulf %sub3A_53, %sub3A_53 : vector<16xf32>
      %add3A_55 = arith.addf %add3A_44, %mul3A_54 : vector<16xf32>
      %swap3A_56 = arith.constant 0 : index
      %swap3A_57 = tpu.vector_load %arg10[%swap3A_56] {strides = array<i32>} : memref<16xf32, #tpu.memory_space<vmem>>, vector<16xf32>,
      %swap3A_58 = vector.shape_cast %swap3A_57 : vector<16xf32> to vector<16xf32>
      %swap3A_59 = vector.shape_cast %add3A_55 : vector<16xf32> to vector<16xf32>
      tpu.vector_store %arg10[%swap3A_56], %swap3A_59 {strides = array<i32>} : memref<16xf32, #tpu.memory_space<vmem>>, vector<16xf32>,
      %scan3A_60 = arith.constant 1 : i32
      %scan3A_61 = arith.addi %scan3A_32, %scan3A_60 : i32
      %get3A_62 = arith.constant 0 : index
      %get3A_63 = tpu.vector_load %arg10[%get3A_62] {strides = array<i32>} : memref<16xf32, #tpu.memory_space<vmem>>, vector<16xf32>,
      %get3A_64 = vector.shape_cast %get3A_63 : vector<16xf32> to vector<16xf32>
      %get3A_65 = arith.index_cast %scan3A_61 : i32 to index
      %get3A_66 = arith.constant 0 : index
      %get3A_67 = tpu.vector_load %arg8[%get3A_65, %get3A_66] {strides = array<i32>} : memref<512x32xf32, #tpu.memory_space<vmem>>, vector<1x16xf32>,
      %get3A_68 = vector.shape_cast %get3A_67 : vector<1x16xf32> to vector<16xf32>
      %get3A_69 = arith.index_cast %scan3A_61 : i32 to index
      %get3A_70 = arith.constant 0 : index
      %get3A_71 = tpu.vector_load %arg9[%get3A_69, %get3A_70] {strides = array<i32>} : memref<512x32xf32, #tpu.memory_space<vmem>>, vector<1x16xf32>,
      %get3A_72 = vector.shape_cast %get3A_71 : vector<1x16xf32> to vector<16xf32>
      %sub3A_73 = arith.subf %get3A_68, %get3A_72 : vector<16xf32>
      %mul3A_74 = arith.mulf %sub3A_73, %sub3A_73 : vector<16xf32>
      %add3A_75 = arith.addf %get3A_64, %mul3A_74 : vector<16xf32>
      %get3A_76 = arith.index_cast %scan3A_61 : i32 to index
      %get3A_77 = arith.constant 16 : index
      %get3A_78 = tpu.vector_load %arg8[%get3A_76, %get3A_77] {strides = array<i32>} : memref<512x32xf32, #tpu.memory_space<vmem>>, vector<1x16xf32>,
      %get3A_79 = vector.shape_cast %get3A_78 : vector<1x16xf32> to vector<16xf32>
      %get3A_80 = arith.index_cast %scan3A_61 : i32 to index
      %get3A_81 = arith.constant 16 : index
      %get3A_82 = tpu.vector_load %arg9[%get3A_80, %get3A_81] {strides = array<i32>} : memref<512x32xf32, #tpu.memory_space<vmem>>, vector<1x16xf32>,
      %get3A_83 = vector.shape_cast %get3A_82 : vector<1x16xf32> to vector<16xf32>
      %sub3A_84 = arith.subf %get3A_79, %get3A_83 : vector<16xf32>
      %mul3A_85 = arith.mulf %sub3A_84, %sub3A_84 : vector<16xf32>
      %add3A_86 = arith.addf %add3A_75, %mul3A_85 : vector<16xf32>
      %swap3A_87 = arith.constant 0 : index
      %swap3A_88 = tpu.vector_load %arg10[%swap3A_87] {strides = array<i32>} : memref<16xf32, #tpu.memory_space<vmem>>, vector<16xf32>,
      %swap3A_89 = vector.shape_cast %swap3A_88 : vector<16xf32> to vector<16xf32>
      %swap3A_90 = vector.shape_cast %add3A_86 : vector<16xf32> to vector<16xf32>
      tpu.vector_store %arg10[%swap3A_87], %swap3A_90 {strides = array<i32>} : memref<16xf32, #tpu.memory_space<vmem>>, vector<16xf32>,
      %scan3A_91 = arith.constant 2 : i32
      %scan3A_92 = arith.addi %scan3A_32, %scan3A_91 : i32
      %get3A_93 = arith.constant 0 : index
      %get3A_94 = tpu.vector_load %arg10[%get3A_93] {strides = array<i32>} : memref<16xf32, #tpu.memory_space<vmem>>, vector<16xf32>,
      %get3A_95 = vector.shape_cast %get3A_94 : vector<16xf32> to vector<16xf32>
      %get3A_96 = arith.index_cast %scan3A_92 : i32 to index
      %get3A_97 = arith.constant 0 : index
      %get3A_98 = tpu.vector_load %arg8[%get3A_96, %get3A_97] {strides = array<i32>} : memref<512x32xf32, #tpu.memory_space<vmem>>, vector<1x16xf32>,
      %get3A_99 = vector.shape_cast %get3A_98 : vector<1x16xf32> to vector<16xf32>
      %get3A_100 = arith.index_cast %scan3A_92 : i32 to index
      %get3A_101 = arith.constant 0 : index
      %get3A_102 = tpu.vector_load %arg9[%get3A_100, %get3A_101] {strides = array<i32>} : memref<512x32xf32, #tpu.memory_space<vmem>>, vector<1x16xf32>,
      %get3A_103 = vector.shape_cast %get3A_102 : vector<1x16xf32> to vector<16xf32>
      %sub3A_104 = arith.subf %get3A_99, %get3A_103 : vector<16xf32>
      %mul3A_105 = arith.mulf %sub3A_104, %sub3A_104 : vector<16xf32>
      %add3A_106 = arith.addf %get3A_95, %mul3A_105 : vector<16xf32>
      %get3A_107 = arith.index_cast %scan3A_92 : i32 to index
      %get3A_108 = arith.constant 16 : index
      %get3A_109 = tpu.vector_load %arg8[%get3A_107, %get3A_108] {strides = array<i32>} : memref<512x32xf32, #tpu.memory_space<vmem>>, vector<1x16xf32>,
      %get3A_110 = vector.shape_cast %get3A_109 : vector<1x16xf32> to vector<16xf32>
      %get3A_111 = arith.index_cast %scan3A_92 : i32 to index
      %get3A_112 = arith.constant 16 : index
      %get3A_113 = tpu.vector_load %arg9[%get3A_111, %get3A_112] {strides = array<i32>} : memref<512x32xf32, #tpu.memory_space<vmem>>, vector<1x16xf32>,
      %get3A_114 = vector.shape_cast %get3A_113 : vector<1x16xf32> to vector<16xf32>
      %sub3A_115 = arith.subf %get3A_110, %get3A_114 : vector<16xf32>
      %mul3A_116 = arith.mulf %sub3A_115, %sub3A_115 : vector<16xf32>
      %add3A_117 = arith.addf %add3A_106, %mul3A_116 : vector<16xf32>
      %swap3A_118 = arith.constant 0 : index
      %swap3A_119 = tpu.vector_load %arg10[%swap3A_118] {strides = array<i32>} : memref<16xf32, #tpu.memory_space<vmem>>, vector<16xf32>,
      %swap3A_120 = vector.shape_cast %swap3A_119 : vector<16xf32> to vector<16xf32>
      %swap3A_121 = vector.shape_cast %add3A_117 : vector<16xf32> to vector<16xf32>
      tpu.vector_store %arg10[%swap3A_118], %swap3A_121 {strides = array<i32>} : memref<16xf32, #tpu.memory_space<vmem>>, vector<16xf32>,
      %scan3A_122 = arith.constant 3 : i32
      %scan3A_123 = arith.addi %scan3A_32, %scan3A_122 : i32
      %get3A_124 = arith.constant 0 : index
      %get3A_125 = tpu.vector_load %arg10[%get3A_124] {strides = array<i32>} : memref<16xf32, #tpu.memory_space<vmem>>, vector<16xf32>,
      %get3A_126 = vector.shape_cast %get3A_125 : vector<16xf32> to vector<16xf32>
      %get3A_127 = arith.index_cast %scan3A_123 : i32 to index
      %get3A_128 = arith.constant 0 : index
      %get3A_129 = tpu.vector_load %arg8[%get3A_127, %get3A_128] {strides = array<i32>} : memref<512x32xf32, #tpu.memory_space<vmem>>, vector<1x16xf32>,
      %get3A_130 = vector.shape_cast %get3A_129 : vector<1x16xf32> to vector<16xf32>
      %get3A_131 = arith.index_cast %scan3A_123 : i32 to index
      %get3A_132 = arith.constant 0 : index
      %get3A_133 = tpu.vector_load %arg9[%get3A_131, %get3A_132] {strides = array<i32>} : memref<512x32xf32, #tpu.memory_space<vmem>>, vector<1x16xf32>,
      %get3A_134 = vector.shape_cast %get3A_133 : vector<1x16xf32> to vector<16xf32>
      %sub3A_135 = arith.subf %get3A_130, %get3A_134 : vector<16xf32>
      %mul3A_136 = arith.mulf %sub3A_135, %sub3A_135 : vector<16xf32>
      %add3A_137 = arith.addf %get3A_126, %mul3A_136 : vector<16xf32>
      %get3A_138 = arith.index_cast %scan3A_123 : i32 to index
      %get3A_139 = arith.constant 16 : index
      %get3A_140 = tpu.vector_load %arg8[%get3A_138, %get3A_139] {strides = array<i32>} : memref<512x32xf32, #tpu.memory_space<vmem>>, vector<1x16xf32>,
      %get3A_141 = vector.shape_cast %get3A_140 : vector<1x16xf32> to vector<16xf32>
      %get3A_142 = arith.index_cast %scan3A_123 : i32 to index
      %get3A_143 = arith.constant 16 : index
      %get3A_144 = tpu.vector_load %arg9[%get3A_142, %get3A_143] {strides = array<i32>} : memref<512x32xf32, #tpu.memory_space<vmem>>, vector<1x16xf32>,
      %get3A_145 = vector.shape_cast %get3A_144 : vector<1x16xf32> to vector<16xf32>
      %sub3A_146 = arith.subf %get3A_141, %get3A_145 : vector<16xf32>
      %mul3A_147 = arith.mulf %sub3A_146, %sub3A_146 : vector<16xf32>
      %add3A_148 = arith.addf %add3A_137, %mul3A_147 : vector<16xf32>
      %swap3A_149 = arith.constant 0 : index
      %swap3A_150 = tpu.vector_load %arg10[%swap3A_149] {strides = array<i32>} : memref<16xf32, #tpu.memory_space<vmem>>, vector<16xf32>,
      %swap3A_151 = vector.shape_cast %swap3A_150 : vector<16xf32> to vector<16xf32>
      %swap3A_152 = vector.shape_cast %add3A_148 : vector<16xf32> to vector<16xf32>
      tpu.vector_store %arg10[%swap3A_149], %swap3A_152 {strides = array<i32>} : memref<16xf32, #tpu.memory_space<vmem>>, vector<16xf32>,
    }
    %scan3A_27 = arith.constant 512 : i32
    "tpu.region"() ({
      %run_scoped3A = tpu.sem_alloc : memref<!tpu.dma_semaphore, #tpu.memory_space<semaphore_mem>>
      %dma_start3A_32 = arith.constant 0 : i32
      %dma_start3A_33 = tpu.memref_slice %arg6[%add3A, %dma_start3A_32] : memref<32x16xf32, #tpu.memory_space<hbm>> -> memref<1x16xf32, #tpu.memory_space<hbm>>
      %dma_start3A_34 = tpu.memref_squeeze %dma_start3A_33 : memref<1x16xf32, #tpu.memory_space<hbm>> -> memref<16xf32, #tpu.memory_space<hbm>>
      %dma_start3A_35 = arith.constant 0 : i32
      %dma_start3A_36 = tpu.memref_slice %arg6[%add3A, %dma_start3A_35] : memref<32x16xf32, #tpu.memory_space<hbm>> -> memref<1x16xf32, #tpu.memory_space<hbm>>
      %dma_start3A_37 = tpu.memref_squeeze %dma_start3A_36 : memref<1x16xf32, #tpu.memory_space<hbm>> -> memref<16xf32, #tpu.memory_space<hbm>>
      tpu.enqueue_dma source(%arg10 : memref<16xf32, #tpu.memory_space<vmem>>) target(%dma_start3A_37 : memref<16xf32, #tpu.memory_space<hbm>>) target_semaphore(%run_scoped3A : memref<!tpu.dma_semaphore, #tpu.memory_space<semaphore_mem>>)
      %dma_wait3A_38 = arith.constant 0 : i32
      %dma_wait3A_39 = tpu.memref_slice %arg6[%add3A, %dma_wait3A_38] : memref<32x16xf32, #tpu.memory_space<hbm>> -> memref<1x16xf32, #tpu.memory_space<hbm>>
      %dma_wait3A_40 = tpu.memref_squeeze %dma_wait3A_39 : memref<1x16xf32, #tpu.memory_space<hbm>> -> memref<16xf32, #tpu.memory_space<hbm>>
      %dma_wait3A_41 = arith.constant 0 : i32
      %dma_wait3A_42 = tpu.memref_slice %arg6[%add3A, %dma_wait3A_41] : memref<32x16xf32, #tpu.memory_space<hbm>> -> memref<1x16xf32, #tpu.memory_space<hbm>>
      %dma_wait3A_43 = tpu.memref_squeeze %dma_wait3A_42 : memref<1x16xf32, #tpu.memory_space<hbm>> -> memref<16xf32, #tpu.memory_space<hbm>>
      tpu.wait_dma2 semaphore(%run_scoped3A : memref<!tpu.dma_semaphore, #tpu.memory_space<semaphore_mem>>) src(%arg10 : memref<16xf32, #tpu.memory_space<vmem>>) dst(%dma_wait3A_43 : memref<16xf32, #tpu.memory_space<hbm>>)
      tpu.yield
    }) : () -> ()
    %dma_wait3A_28 = arith.constant 0 : i32
    %dma_wait3A_29 = tpu.memref_slice %arg5[%mul3A_2, %dma_wait3A_28] : memref<16384x32xf32, #tpu.memory_space<hbm>> -> memref<512x32xf32, #tpu.memory_space<hbm>>
    %dma_wait3A_30 = arith.constant 0 : i32
    %dma_wait3A_31 = tpu.memref_slice %arg5[%mul3A_2, %dma_wait3A_30] : memref<16384x32xf32, #tpu.memory_space<hbm>> -> memref<512x32xf32, #tpu.memory_space<hbm>>
    tpu.wait_dma2 semaphore(%arg11 : memref<!tpu.dma_semaphore, #tpu.memory_space<semaphore_mem>>) src(%arg8 : memref<512x32xf32, #tpu.memory_space<vmem>>) dst(%dma_wait3A_31 : memref<512x32xf32, #tpu.memory_space<hbm>>)
    return
  }
}

module attributes {stable_mosaic.version = 14 : i64} {
  func.func @_argmin_body(%arg0: i32, %arg1: memref<1024x32xf32, #tpu.memory_space<vmem>>, %arg2: memref<32x8192xf32, #tpu.memory_space<vmem>>, %arg3: memref<1x1x1024xi32, #tpu.memory_space<vmem>>) attributes {dimension_semantics = [#tpu.dimension_semantics<arbitrary>], iteration_bounds = array<i64: 16>, scalar_prefetch = 0 : i64, scratch_operands = 0 : i64, tpu.core_type = #tpu.core_type<tc>, window_params = [{transform_indices = @transform_0, window_bounds = array<i64: 1024, 32>}, {pipeline_mode = #tpu.pipeline_mode<synchronous>, transform_indices = @transform_1, window_bounds = array<i64: 32, 8192>}, {transform_indices = @transform_2, window_bounds = array<i64: 1, 1, 1024>}]} {
    %get3A = arith.constant 0 : index
    %get3A_0 = arith.constant 0 : index
    %get3A_1 = vector.load %arg1[%get3A, %get3A_0] : memref<1024x32xf32, #tpu.memory_space<vmem>>, vector<1024x32xf32>
    %get3A_2 = arith.constant 0 : index
    %get3A_3 = arith.constant 0 : index
    %get3A_4 = vector.load %arg2[%get3A_2, %get3A_3] : memref<32x8192xf32, #tpu.memory_space<vmem>>, vector<32x8192xf32>
    %mul3A = arith.constant -2.000000e+00 : f32
    %mul3A_5 = vector.broadcast %mul3A : f32 to vector<1024x32xf32>
    %mul3A_6 = arith.mulf %get3A_1, %mul3A_5 : vector<1024x32xf32>
    %dot_general3A = arith.constant dense<0.000000e+00> : vector<1024x8192xf32>
    %dot_general3A_7 = tpu.matmul %mul3A_6, %get3A_4, %dot_general3A {dimension_numbers = #tpu.dot_dimension_numbers<[1], [0], [0], [1], [0, 0, 1, 1], [], []>, transpose_lhs_hint = false} : vector<1024x32xf32>, vector<32x8192xf32>, vector<1024x8192xf32> -> vector<1024x8192xf32>
    %mul3A_8 = arith.mulf %get3A_1, %get3A_1 : vector<1024x32xf32>
    %reduce_sum3A = arith.constant dense<0.000000e+00> : vector<1024xf32>
    %reduce_sum3A_9 = vector.multi_reduction <add>, %mul3A_8, %reduce_sum3A [1] : vector<1024x32xf32> to vector<1024xf32>
    %broadcast_in_dim3A = vector.shape_cast %reduce_sum3A_9 : vector<1024xf32> to vector<1024x1xf32>
    %mul3A_10 = arith.mulf %get3A_4, %get3A_4 : vector<32x8192xf32>
    %reduce_sum3A_11 = arith.constant dense<0.000000e+00> : vector<8192xf32>
    %reduce_sum3A_12 = vector.multi_reduction <add>, %mul3A_10, %reduce_sum3A_11 [0] : vector<32x8192xf32> to vector<8192xf32>
    %broadcast_in_dim3A_13 = vector.shape_cast %reduce_sum3A_12 : vector<8192xf32> to vector<1x8192xf32>
    %add3A = vector.broadcast %broadcast_in_dim3A : vector<1024x1xf32> to vector<1024x8192xf32>
    %add3A_14 = vector.broadcast %broadcast_in_dim3A_13 : vector<1x8192xf32> to vector<1024x8192xf32>
    %add3A_15 = arith.addf %add3A, %add3A_14 : vector<1024x8192xf32>
    %add3A_16 = arith.addf %add3A_15, %dot_general3A_7 : vector<1024x8192xf32>
    %argmin3A = tpu.reduce_index %add3A_16 {axis = 1 : i32, kind = #tpu.reduction_kind<arg_min>} : vector<1024x8192xf32> -> vector<1024xi32>
    %swap3A = arith.constant 0 : index
    %swap3A_17 = arith.constant 0 : index
    %swap3A_18 = arith.constant 0 : index
    %swap3A_19 = vector.load %arg3[%swap3A, %swap3A_17, %swap3A_18] : memref<1x1x1024xi32, #tpu.memory_space<vmem>>, vector<1x1x1024xi32>
    %swap3A_20 = vector.shape_cast %swap3A_19 : vector<1x1x1024xi32> to vector<1024xi32>
    %swap3A_21 = vector.shape_cast %argmin3A : vector<1024xi32> to vector<1x1x1024xi32>
    tpu.vector_store %arg3[%swap3A, %swap3A_17, %swap3A_18], %swap3A_21 {strides = array<i32>} : memref<1x1x1024xi32, #tpu.memory_space<vmem>>, vector<1x1x1024xi32>,
    return
  }
  func.func @transform_0(%arg0: i32) -> (i32, i32) {
    %c0_i32 = arith.constant 0 : i32
    %c0_i32_0 = arith.constant 0 : i32
    return %arg0, %c0_i32 : i32, i32
  }
  func.func @transform_1(%arg0: i32) -> (i32, i32) {
    %c0_i32 = arith.constant 0 : i32
    %c0_i32_0 = arith.constant 0 : i32
    %c0_i32_1 = arith.constant 0 : i32
    return %c0_i32, %c0_i32_0 : i32, i32
  }
  func.func @transform_2(%arg0: i32) -> (i32, i32, i32) {
    %c0_i32 = arith.constant 0 : i32
    %c0_i32_0 = arith.constant 0 : i32
    %c0_i32_1 = arith.constant 0 : i32
    return %arg0, %c0_i32, %c0_i32_0 : i32, i32, i32
  }
}

</mosaic_0001>

<sc_bundles>
// kernel: kernel.4.cloned.1.call-start
scs
__scs_entry_jumppad:
0x0: {  	(pc) =	sbr.rel $0x88, $3  }
0x1: {  	(tag) =	ssettag $0x0;
	lr =	simm.s32 $0x1  }
0x2: {  	[smem:$0x3F9F] =	sst lr;
	_ =	strace $0xD0000000  }
0x3: {  	_ = 	snop  }
0x4: {  	_ = 	snop  }
0x5: {  	_ = 	snop  }
0x6: {  	_ = 	snop  }
0x7: {  	_ = 	snop  }
__scs_overlays_trampoline_lowered:
0x8: {  	[smem:$0x3FAE] =	sst s0  }
0x9: {  	[smem:$0x3FAF] =	sst s1  }
0xa: {  	[smem:$0x3FB0] =	sst s2  }
0xb: {  	[smem:$0x3FB1] =	sst s3  }
0xc: {  	[smem:$0x3FB2] =	sst s4  }
0xd: {  	[smem:$0x3FB3] =	sst s5  }
0xe: {  	[smem:$0x3FB4] =	sst s6  }
0xf: {  	[smem:$0x3FB5] =	sst s7  }
0x10: {  	[smem:$0x3FB6] =	sst s8  }
0x11: {  	[smem:$0x3FB7] =	sst s9;
	s0 =	simm.s32 @!p0 $0x0  }
0x12: {  	s1 =	sld [smem:$0x3F9D];
	s0 =	simm.s32 @p0 $0x1  }
0x13: {  	[smem:$0x3FB8] =	sst s0;
	s0 =	simm.s32 @!p1 $0x0  }
0x14: {  	s2 =	sld [smem:$0x3F9C];
	s0 =	simm.s32 @p1 $0x1  }
0x15: {  	[smem:$0x3FB9] =	sst s0;
	s0 =	simm.s32 @!p2 $0x0  }
0x16: {  	s3 =	sld [smem:$0x3FDB];
	s0 =	simm.s32 @p2 $0x1  }
0x17: {  	s4 =	simm.s32 $0x1BF5;
	[smem:$0x3FBB] =	sst s0  }
0x18: {  	s0 =	sld [smem:$0x3F9E];
	_ =	swait.ge [sflag:s4], $0x0  }
0x19: {  	s7 =	sld [smem:$0x3F9F]  }
0x1a: {  	s8 =	sadd.s32 $0xFFFFE003, lr  }
0x1b: {  	s9 =	sadd.s32 $0xFFFFFEF7, lr;
	s5 =	simm.s32 $0xFFFFFFFF;
	p2 =	slt.u32 s8, $0xFFFFF086  }
0x1c: {  	p1 =	slt.u32 s9, $0xF7A;
	s5 =	simm.s32 @!p2 $0x0  }
0x1d: {  	s5 =	simm.s32 @p1 $0x1;
	p0 =	seq.s32 s7, s2  }
0x1e: {  	s7 =	smul.u32 @!p0 $0xF7A, s2;
	p2 =	seq.s32 @!p0 s5, $0x0  }
0x1f: {  	s9 =	smul.u32 $0xF7A, s1;
	s8 =	simm.s32 @!p0 $0x1BF5;
	p2 =	por !p2, p0  }
0x20: {  	[sflag:s8] =	ssyncset.s32 @!p0 $0xFFFFF086;
	s6 =	sadd.s32 @!p0 s3, s7;
	s7 =	simm.s32 @!p0 $0x108  }
0x21: {  	s3 =	sadd.s32 s3, s9;
	s6 =	sadd.s32 @!p0 $0x88, s6;
	s7 =	simm.s32 @p2 $0x1082  }
0x22: {  	[simem:s7], [sflag:s8] =	dma.local @!p0 [hbm:s6], $0xF7A  }
0x23: {  	s9 =	sor.u32 $0xD0000000, s2;
	s6 =	simm.s32 $0x108;
	_ =	swait.ge @!p0 [sflag:s8], $0x0  }
0x24: {  	s3 =	sadd.s32 $0x88, s3;
	s6 =	simm.s32 @!p1 $0x1082;
	[sflag:s4] =	ssyncset.s32 $0xFFFFF086  }
0x25: {  	[simem:s6], [sflag:s4] =	dma.local [hbm:s3], $0xF7A  }
0x26: {  	[smem:$0x3F9F] =	sst s1;
	(tag) =	ssettag s2;
	_ =	strace s9  }
0x27: {  	s1 =	sld [smem:$0x3FAF]  }
0x28: {  	s2 =	sld [smem:$0x3FB0]  }
0x29: {  	s4 =	sld [smem:$0x3FB2]  }
0x2a: {  	p0 =	seq.s32 s5, $0x0;
	s5 =	sld [smem:$0x3FB3]  }
0x2b: {  	s6 =	sld [smem:$0x3FB4]  }
0x2c: {  	s7 =	sld [smem:$0x3FB5]  }
0x2d: {  	s3 =	simm.s32 $0x108;
	s8 =	sld [smem:$0x3FB6]  }
0x2e: {  	s3 =	simm.s32 @!p0 $0x1082;
	s9 =	sld [smem:$0x3FB7]  }
0x2f: {  	lr =	sadd.s32 s0, s3;
	s0 =	sld [smem:$0x3FAE]  }
0x30: {  	s3 =	sld [smem:$0x3FB1]  }
0x31: {  	[smem:$0x3FBA] =	sst s10  }
0x32: {  	s10 =	sld [smem:$0x3FB8];
	_ =	sdelay $0x3  }
0x33: {  	p0 =	seq.s32 s10, $0x1;
	s10 =	sld [smem:$0x3FBA];
	_ =	sdelay $0x3  }
0x34: {  	[smem:$0x3FBA] =	sst s10  }
0x35: {  	s10 =	sld [smem:$0x3FB9];
	_ =	sdelay $0x3  }
0x36: {  	p1 =	seq.s32 s10, $0x1;
	s10 =	sld [smem:$0x3FBA];
	_ =	sdelay $0x3  }
0x37: {  	[smem:$0x3FBA] =	sst s10  }
0x38: {  	s10 =	sld [smem:$0x3FBB]  }
0x39: {  	_ = 	snop;
	(pc) =	sbr.ind lr, $3  }
0x3a: {  	_ = 	snop  }
0x3b: {  	_ = 	snop  }
0x3c: {  	p2 =	seq.s32 s10, $0x1;
	s10 =	sld [smem:$0x3FBA]  }
0x3d: {  	_ =	shalt  }
0x3e: {  	_ =	shalt  }
0x3f: {  	_ =	shalt  }
0x40: {  	_ =	shalt  }
0x41: {  	_ =	shalt  }
0x42: {  	_ =	shalt  }
0x43: {  	_ =	shalt  }
0x44: {  	_ =	shalt  }
0x45: {  	_ =	shalt  }
0x46: {  	_ =	shalt  }
0x47: {  	_ =	shalt  }
0x48: {  	_ =	shalt  }
0x49: {  	_ =	shalt  }
0x4a: {  	_ =	shalt  }
0x4b: {  	_ =	shalt  }
0x4c: {  	_ =	shalt  }
0x4d: {  	_ =	shalt  }
0x4e: {  	_ =	shalt  }
0x4f: {  	_ =	shalt  }
0x50: {  	_ =	shalt  }
0x51: {  	_ =	shalt  }
0x52: {  	_ =	shalt  }
0x53: {  	_ =	shalt  }
0x54: {  	_ =	shalt  }
0x55: {  	_ =	shalt  }
0x56: {  	_ =	shalt  }
0x57: {  	_ =	shalt  }
0x58: {  	_ =	shalt  }
0x59: {  	_ =	shalt  }
0x5a: {  	_ =	shalt  }
0x5b: {  	_ =	shalt  }
0x5c: {  	_ =	shalt  }
0x5d: {  	_ =	shalt  }
0x5e: {  	_ =	shalt  }
0x5f: {  	_ =	shalt  }
0x60: {  	_ =	shalt  }
0x61: {  	_ =	shalt  }
0x62: {  	_ =	shalt  }
0x63: {  	_ =	shalt  }
0x64: {  	_ =	shalt  }
0x65: {  	_ =	shalt  }
0x66: {  	_ =	shalt  }
0x67: {  	_ =	shalt  }
0x68: {  	_ =	shalt  }
0x69: {  	_ =	shalt  }
0x6a: {  	_ =	shalt  }
0x6b: {  	_ =	shalt  }
0x6c: {  	_ =	shalt  }
0x6d: {  	_ =	shalt  }
0x6e: {  	_ =	shalt  }
0x6f: {  	_ =	shalt  }
0x70: {  	_ =	shalt  }
0x71: {  	_ =	shalt  }
0x72: {  	_ =	shalt  }
0x73: {  	_ =	shalt  }
0x74: {  	_ =	shalt  }
0x75: {  	_ =	shalt  }
0x76: {  	_ =	shalt  }
0x77: {  	_ =	shalt  }
0x78: {  	_ =	shalt  }
0x79: {  	_ =	shalt  }
0x7a: {  	_ =	shalt  }
0x7b: {  	_ =	shalt  }
0x7c: {  	_ =	shalt  }
0x7d: {  	_ =	shalt  }
0x7e: {  	_ =	shalt  }
0x7f: {  	_ =	shalt  }
0x80: {  	_ =	shalt  }
0x81: {  	_ =	shalt  }
0x82: {  	_ =	shalt  }
0x83: {  	_ =	shalt  }
0x84: {  	_ =	shalt  }
0x85: {  	_ =	shalt  }
0x86: {  	_ =	shalt  }
0x87: {  	_ =	shalt  }
.Lfunc_end0:
.L_simem_size_0:
called_computation_lowered:
.L_overlay_start_0:
0x88: {  	s2 =	sld [smem:$0x3FD9]  }
0x89: {  	s3 =	sld [smem:$0x3FFE];
	_ =	sdelay $0x1  }
0x8a: {  	s1 =	srdreg.scid  }
0x8b: {  	s0 =	sand.u32 $0x1, s1  }
0x8c: {  	s14 =	sshll.u32 s0, $0xA;
	s2 =	sadd.s32 s3, s2  }
0x8d: {  	s2 =	sadd.s32 s2, s14  }
0x8e: {  	[smem:$0x3FC6] =	sst s2  }
0x8f: {  	_ = 	snop  }
0x90: {  	s2 =	sld [smem:$0x3FD0];
	_ =	sdelay $0x2  }
0x91: {  	s15 =	simm.s32 $0xA;
	s4 =	simm.s32 $0x10  }
0x92: {  	[smem:s4], [sflag:s15] =	dma.local [hbm:s2], $0x1  }
0x93: {  	_ =	swait.eq [sflag:s15], $0x1  }
0x94: {  	[sflag:s15] =	ssyncset.done $0x0  }
0x95: {  	[sflag:s15] =	ssyncadd.s32 $0xFFFFFFFF  }
0x96: {  	s16 =	sld [smem:$0x10];
	(tm) =	ssettm $0x1  }
0x97: {  	s17 =	sld [smem:$0x3FFB];
	_ =	sdelay $0x3  }
0x98: {  	_ =	strace s17  }
0x99: {  	s3 =	sld [smem:$0x3FFC];
	_ =	sdelay $0x3  }
0x9a: {  	_ =	strace s3  }
0x9b: {  	s3 =	sld [smem:$0x3FFD];
	_ =	sdelay $0x3  }
0x9c: {  	_ =	strace s3  }
0x9d: {  	_ =	strace $0x8FFFFFFF  }
0x9e: {  	s18 =	sld [smem:$0x3FDB];
	_ =	sdelay $0x1  }
0x9f: {  	s19 =	simm.s32 $_scs_section_size  }
0xa0: {  	s5 =	simm.s32 $_size__tile_overlayer_lowered;
	s6 =	simm.s32 $_tile_overlayer_lowered  }
0xa1: {  	s22 =	simm.s32 $0x1BFF;
	s21 =	sshll.u32 s6, $0x1;
	s3 =	sadd.s32 s19, s18  }
0xa2: {  	s7 =	simm.s32 $0x0;
	s20 =	sshll.u32 s5, $0x1;
	s5 =	sadd.s32 s21, s3  }
0xa3: {  	[timem:s7], [sflag:s22] =	dma.local [hbm:s5], s20  }
0xa4: {  	_ =	swait.ge [sflag:s22], s20  }
0xa5: {  	s4 =	ssub.s32 $0x0, s20;
	[sflag:s22] =	ssyncset.done $0x0  }
0xa6: {  	[sflag:s22] =	ssyncadd.s32 s4;
	_ =	sdelay $0x1  }
0xa7: {  	s23 =	simm.s32 $0x1B8B  }
0xa8: {  	_ =	swait.ge [sflag:s23], $0x1  }
0xa9: {  	[sflag:s23] =	ssyncset.done $0x0  }
0xaa: {  	s25 =	simm.s32 $0x1B8E;
	s24 =	sld [smem:$0x3FFE];
	[sflag:s23] =	ssyncadd.s32 $0xFFFFFFFF  }
0xab: {  	s26 =	simm.s32 $execute0_lowered;
	[smem:$0x3FD2] =	sst s25  }
0xac: {  	s5 =	sshll.u32 s26, $0x1;
	_ =	strace $0x80000046;
	[dreg:$0x1] =	wrdreg $0xFFFFFFFF  }
0xad: {  	s28 =	simm.s32 $_size_execute0_lowered;
	s3 =	sadd.s32 s3, s5;
	[dreg:$0x0] =	wrdreg $0x0  }
0xae: {  	s5 =	sshll.u32 s28, $0x1;
	[dreg:$0x2] =	wrdreg s3  }
0xaf: {  	[dreg:$0x3] =	wrdreg s5  }
0xb0: {  	[dreg:$0x4] =	wrdreg $0xC0  }
0xb1: {  	_ =	task [dreg:s7], $0x5FFFF  }
0xb2: {  	[dreg:$0x1] =	wrdreg $0xFFFFFFFF  }
0xb3: {  	[dreg:$0x0] =	wrdreg $0x60  }
0xb4: {  	[dreg:$0x2] =	wrdreg s24  }
0xb5: {  	[dreg:$0x3] =	wrdreg s16  }
0xb6: {  	[dreg:$0x4] =	wrdreg $0x9  }
0xb7: {  	_ =	task.clear_ibuf [dreg:s7], $0x5FFFF;
	_ =	strace $0x90000046  }
0xb8: {  	s29 =	simm.s32 $0x9;
	_ =	strace $0x80000048  }
0xb9: {  	_ =	swait.ge [sflag:s29], $0x1  }
0xba: {  	[sflag:s29] =	ssyncadd.s32 $0xFFFFFFFF  }
0xbb: {  	_ =	strace $0x90000048  }
0xbc: {  	_ =	sfence  }
0xbd: {  	s30 =	sld [smem:$0x0];
	_ =	sdelay $0x2  }
0xbe: {  	s31 =	sshll.u32 s1, $0xD;
	s1 =	sshrl.u32 s1, $0x2  }
0xbf: {  	s3 =	sand.u32 $0x4000, s31;
	s1 =	sadd.s32 s1, s30  }
0xc0: {  	s0 =	sor.u32 s3, s0;
	s1 =	sshll.u32 s1, $0x11  }
0xc1: {  	s0 =	sor.u32 s1, s0  }
0xc2: {  	s0 =	sadd.s32 $0x8F2B, s0  }
0xc3: {  	[sflag:s0] =	ssyncadd.remote.s32 $0x1  }
0xc4: {  	_ =	sfence.sel $0xFFFF  }
0xc5: {  	[dreg:$0x0] =	wrdreg $0xFFFFFFFF;
	(pc) =	sbr.abs _section_cstart, $3  }
0xc6: {  	[dreg:$0x1] =	wrdreg $0xFFFFFFFF  }
0xc7: {  	_ =	task.clear_ibuf [dreg:s7], $0x2FFFF;
	_ =	strace $0x9FFFFFFF  }
0xc8: {  	(tm) =	ssettm $0x7FFFFFFF  }
0xc9: {  	_ =	shalt  }
tec
execute0_lowered:
.L_overlay_start_1:
0x0: {  	(tag) =	ssettag $0x1  }
0x1: {  	s4 =	rddreg [dreg:$0x0];
	s1 =	srdreg.scid  }
0x2: {  	s0 =	stileid.u32;
	s5 =	rddreg [dreg:$0x1];
	s2 =	simm.s32 $0x0  }
0x3: {  	s12 =	simm.s32 $0x1;
	s13 =	simm.s32 $0x8200;
	s14 =	simm.s32 $0x0  }
0x4: {  	s6 =	sand.u32 $0x1, s1;
	s3 =	sshll.u32 s0, $0x1;
	[smem:$0x7FF] =	sst s2  }
0x5: {  	s1 =	rddreg [dreg:$0x2];
	s7 =	sor.u32 s6, s3;
	_ =	strace $0x80000047  }
0x6: {  	s3 =	sadd.s32 $0x1200, s4;
	s6 =	ssub.s32 $0x2, s6;
	s8 =	sshll.u32 s7, $0x6  }
0x7: {  	s9 =	sshll.u32 s7, $0xB;
	s7 =	sshll.u32 s7, $0x1;
	s31 =	sshrl.u32 s6, $0x1  }
0x8: {  	s8 =	sadd.s32 s8, s4;
	s10 =	sadd.s32 s9, s4;
	s7 =	sadd.s32 s7, s4  }
0x9: {  	s11 =	ssub.s32 s6, s31;
	s5 =	sadd.s32 s5, s9;
	s9 =	simm.s32 $0x2  }
0xa: {  	s4 =	sadd.s32 $0xA00, s8;
	s6 =	sadd.s32 $0x9200, s10;
	s7 =	sadd.s32 $0x19200, s7  }
0xb: {  	s8 =	smax.u32 s11, $0x1;
	s10 =	simm.s32 $0x4200;
	s11 =	simm.s32 $0x200  }
.LBB2_1:
0xc: {  	[tilespmem:s2], [sflag:$0x2] =	stream.linear.gather [hbm4b:s4+s2], $0x200, $0x38;
	[tilespmem:$0x8210] =	vst v63  }
0xd: {  	_ =	swait.ge [sflag:s9], $0x200  }
0xe: {  	[sflag:s9] =	ssyncset.done $0x0  }
0xf: {  	[sflag:s9] =	ssyncadd.s32 $0xFFFFFE00  }
0x10: {  	[tilespmem:s10], [sflag:$0x1] =	stream.linear.gather [hbm4b:s5+s2], $0x4000, $0x38;
	[tilespmem:$0x8210] =	vst v63  }
0x11: {  	_ = 	snop  }
0x12: {  	[tilespmem:s11], [sflag:$0x1] =	stream.indirect.gather [hbm4b:s3+s11], $0x20, s2, s11, $0xb8;
	[tilespmem:$0x8210] =	vst v63  }
0x13: {  	_ =	swait.ge [sflag:s12], $0x4000  }
0x14: {  	[sflag:s12] =	ssyncset.done $0x0  }
0x15: {  	[sflag:s12] =	ssyncadd.s32 $0xFFFFC000  }
0x16: {  	_ =	swait.ge [sflag:s12], $0x4000  }
0x17: {  	[sflag:s12] =	ssyncset.done $0x0  }
0x18: {  	[sflag:s12] =	ssyncadd.s32 $0xFFFFC000  }
0x19: {  	v0 =	vimm.f32 $0.0e+00;
	[hbm4b:s6+s2] =	stream.linear.scatter [tilespmem:s11], [sflag:$0x1], $0x4000, $0x38;
	[tilespmem:$0x8210] =	vst v63  }
0x1a: {  	s15 =	simm.s32 $0x4240;
	[tilespmem:$0x8200] =	vst v0  }
0x1b: {  	s16 =	simm.s32 $0x240;
	v1 =	vld [tilespmem:s15+$0xFFFFFFC0]  }
0x1c: {  	v2 =	vld [tilespmem:s16+$0xFFFFFFC0]  }
0x1d: {  	v3 =	vld [tilespmem:s15+$0xFFFFFFD0]  }
0x1e: {  	v4 =	vld [tilespmem:s16+$0xFFFFFFD0];
	_ =	sdelay $0x2  }
0x1f: {  	v1 =	vsub.f32 v2, v1;
	_ =	sdelay $0x1  }
0x20: {  	v2 =	vsub.f32 v4, v3;
	v1 =	vmul.f32 v1, v1;
	_ =	sdelay $0x1  }
0x21: {  	v0 =	vadd.f32 v1, v0;
	v1 =	vmul.f32 v2, v2;
	_ =	sdelay $0x1  }
0x22: {  	v0 =	vadd.f32 v1, v0;
	_ =	sdelay $0x1  }
0x23: {  	[tilespmem:$0x8200] =	vst v0  }
0x24: {  	v1 =	vld [tilespmem:s16+$0xFFFFFFE0]  }
0x25: {  	v2 =	vld [tilespmem:s15+$0xFFFFFFE0]  }
0x26: {  	v3 =	vld [tilespmem:s16+$0xFFFFFFF0]  }
0x27: {  	v4 =	vld [tilespmem:s15+$0xFFFFFFF0];
	_ =	sdelay $0x2  }
0x28: {  	v1 =	vsub.f32 v1, v2;
	_ =	sdelay $0x1  }
0x29: {  	v2 =	vsub.f32 v3, v4;
	v1 =	vmul.f32 v1, v1;
	_ =	sdelay $0x1  }
0x2a: {  	v0 =	vadd.f32 v1, v0;
	v1 =	vmul.f32 v2, v2;
	_ =	sdelay $0x1  }
0x2b: {  	v0 =	vadd.f32 v1, v0;
	_ =	sdelay $0x1  }
0x2c: {  	[tilespmem:$0x8200] =	vst v0  }
0x2d: {  	v1 =	vld [tilespmem:s16+$0x0]  }
0x2e: {  	v2 =	vld [tilespmem:s15+$0x0]  }
0x2f: {  	v3 =	vld [tilespmem:s15+$0x10]  }
0x30: {  	v4 =	vld [tilespmem:s16+$0x10];
	_ =	sdelay $0x2  }
0x31: {  	v1 =	vsub.f32 v1, v2;
	_ =	sdelay $0x1  }
0x32: {  	v2 =	vsub.f32 v4, v3;
	v1 =	vmul.f32 v1, v1;
	_ =	sdelay $0x1  }
0x33: {  	v0 =	vadd.f32 v1, v0;
	v1 =	vmul.f32 v2, v2;
	_ =	sdelay $0x1  }
0x34: {  	v0 =	vadd.f32 v1, v0;
	_ =	sdelay $0x1  }
0x35: {  	[tilespmem:$0x8200] =	vst v0  }
0x36: {  	v3 =	vld [tilespmem:s16+$0x20]  }
0x37: {  	v4 =	vld [tilespmem:s15+$0x20]  }
0x38: {  	v1 =	vld [tilespmem:s16+$0x30]  }
0x39: {  	v2 =	vld [tilespmem:s15+$0x30];
	_ =	sdelay $0x2  }
0x3a: {  	s17 =	simm.s32 $0x0;
	v3 =	vsub.f32 v3, v4  }
.LBB2_2:
0x3b: {  	_ = 	snop  }
0x3c: {  	s17 =	sadd.s32 $0x4, s17;
	s16 =	sadd.s32 $0x80, s16;
	s15 =	sadd.s32 $0x80, s15;
	v3 =	vmul.f32 v3, v3;
	v1 =	vsub.f32 v1, v2  }
0x3d: {  	p0 =	slt.u32 s17, $0x1FC  }
0x3e: {  	v0 =	vadd.f32 v3, v0;
	v1 =	vmul.f32 v1, v1;
	_ =	sdelay $0x1  }
0x3f: {  	v0 =	vadd.f32 v1, v0;
	_ =	sdelay $0x1  }
0x40: {  	[tilespmem:$0x8200] =	vst v0  }
0x41: {  	v1 =	vld [tilespmem:s15+$0xFFFFFFC0]  }
0x42: {  	v2 =	vld [tilespmem:s15+$0xFFFFFFD0]  }
0x43: {  	v3 =	vld [tilespmem:s16+$0xFFFFFFC0]  }
0x44: {  	v4 =	vld [tilespmem:s16+$0xFFFFFFD0];
	_ =	sdelay $0x3  }
0x45: {  	v1 =	vsub.f32 v3, v1  }
0x46: {  	v2 =	vsub.f32 v4, v2  }
0x47: {  	v1 =	vmul.f32 v1, v1;
	_ =	sdelay $0x1  }
0x48: {  	v0 =	vadd.f32 v1, v0;
	v1 =	vmul.f32 v2, v2;
	_ =	sdelay $0x1  }
0x49: {  	v0 =	vadd.f32 v1, v0;
	_ =	sdelay $0x1  }
0x4a: {  	[tilespmem:$0x8200] =	vst v0  }
0x4b: {  	v1 =	vld [tilespmem:s16+$0xFFFFFFE0]  }
0x4c: {  	v2 =	vld [tilespmem:s15+$0xFFFFFFE0]  }
0x4d: {  	v3 =	vld [tilespmem:s16+$0xFFFFFFF0]  }
0x4e: {  	v4 =	vld [tilespmem:s15+$0xFFFFFFF0];
	_ =	sdelay $0x2  }
0x4f: {  	v1 =	vsub.f32 v1, v2;
	_ =	sdelay $0x1  }
0x50: {  	v1 =	vmul.f32 v1, v1;
	v2 =	vsub.f32 v3, v4;
	_ =	sdelay $0x1  }
0x51: {  	v0 =	vadd.f32 v1, v0;
	v1 =	vmul.f32 v2, v2;
	_ =	sdelay $0x1  }
0x52: {  	v0 =	vadd.f32 v1, v0;
	_ =	sdelay $0x1  }
0x53: {  	[tilespmem:$0x8200] =	vst v0  }
0x54: {  	v1 =	vld [tilespmem:s16+$0x0]  }
0x55: {  	v2 =	vld [tilespmem:s15+$0x0]  }
0x56: {  	v3 =	vld [tilespmem:s15+$0x10]  }
0x57: {  	v4 =	vld [tilespmem:s16+$0x10];
	_ =	sdelay $0x2  }
0x58: {  	v1 =	vsub.f32 v1, v2;
	_ =	sdelay $0x1  }
0x59: {  	v1 =	vmul.f32 v1, v1;
	v2 =	vsub.f32 v4, v3;
	_ =	sdelay $0x1  }
0x5a: {  	v0 =	vadd.f32 v1, v0;
	v1 =	vmul.f32 v2, v2;
	_ =	sdelay $0x1  }
0x5b: {  	v0 =	vadd.f32 v1, v0;
	_ =	sdelay $0x1  }
0x5c: {  	[tilespmem:$0x8200] =	vst v0  }
0x5d: {  	v3 =	vld [tilespmem:s16+$0x20]  }
0x5e: {  	v4 =	vld [tilespmem:s15+$0x20]  }
.Ltmp0:
0x5f: {  	v1 =	vld [tilespmem:s16+$0x30];
	(pc) =	sbr.rel @p0 .LBB2_2-.Ltmp0, $2  }
0x60: {  	v2 =	vld [tilespmem:s15+$0x30];
	_ =	sdelay $0x2  }
0x61: {  	v3 =	vsub.f32 v3, v4  }
0x62: {  	_ = 	snop  }
0x63: {  	v3 =	vmul.f32 v3, v3;
	v1 =	vsub.f32 v1, v2;
	_ =	sdelay $0x1  }
0x64: {  	v0 =	vadd.f32 v3, v0;
	v1 =	vmul.f32 v1, v1;
	_ =	sdelay $0x1  }
0x65: {  	v0 =	vadd.f32 v1, v0;
	_ =	sdelay $0x1  }
0x66: {  	s14 =	sadd.s32 $0x1, s14;
	[tilespmem:$0x8200] =	vst v0  }
0x67: {  	[hbm4b:s7+s2] =	stream.linear.scatter [tilespmem:s13], [sflag:$0x2], $0x10, $0x38;
	[tilespmem:$0x8210] =	vst v63  }
0x68: {  	p0 =	sne.s32 s14, s8;
	_ =	swait.ge [sflag:s9], $0x10  }
.Ltmp1:
0x69: {  	[sflag:s9] =	ssyncset.done $0x0;
	(pc) =	sbr.rel @p0 .LBB2_1-.Ltmp1, $4  }
0x6a: {  	[sflag:s9] =	ssyncadd.s32 $0xFFFFFFF0  }
0x6b: {  	_ =	swait.ge [sflag:s12], $0x4000  }
0x6c: {  	[sflag:s12] =	ssyncset.done $0x0  }
0x6d: {  	[sflag:s12] =	ssyncadd.s32 $0xFFFFC000  }
0x6e: {  	_ =	sfence.sel $0x180000  }
0x6f: {  	[bflag:$0x0] =	sbarrier.arrive $0xFFFF  }
0x70: {  	p0 =	sne.s32 s0, $0x0;
	_ =	strace $0x90000047  }
0x71: {  	s0 =	sadd.s32 @!p0 $0x100000, s1;
	[bflag:$0x2] =	sbarrier.arrive $0xFFFF  }
0x72: {  	[sflag:s0] =	ssyncadd.tile.s32 @!p0 $0x1;
	_ =	shalt  }
.Lfunc_end2:
_tile_overlayer_lowered:
.L_overlay_start_2:
0x73: {  	(tag) =	ssettag $0x2  }
0x74: {  	s0 =	rddreg [dreg:$0x0];
	s2 =	stileid.u32  }
0x75: {  	s1 =	rddreg [dreg:$0x1];
	p0 =	sne.s32 s2, $0x0  }
0x76: {  	s3 =	rddreg [dreg:$0x2];
	[bflag:$0x3] =	sbarrier.arrive $0xFFFF;
	s2 =	simm.s32 @!p0 $0x1C02  }
0x77: {  	[timem:s3], [sflag:s2] =	dma.local @!p0 [hbm:s0], s1  }
0x78: {  	s0 =	simm.s32 @!p0 $0x2  }
0x79: {  	_ =	swait.ge @!p0 [sflag:s0], s1  }
0x7a: {  	s1 =	ssub.s32 @!p0 $0x0, s1;
	[sflag:s0] =	ssyncset.done @!p0 $0x0  }
0x7b: {  	[sflag:s0] =	ssyncadd.s32 @!p0 s1  }
0x7c: {  	[bflag:$0x3] =	sbarrier.arrive $0xFFFF  }
0x7d: {  	_ =	shalt  }

</sc_bundles>
